<compile_context>
chip_gen: v7x
topology: tpu7x:2x2x1
jax: 0.10.2.dev20260603
libtpu: 0.0.44.dev20260713+nightly
codegen_flags: <defaults>
</compile_context>

<pallas_src>
import jax
import jax.numpy as jnp
from jax import lax
from jax.experimental import pallas as pl
from jax.experimental.pallas import tpu as pltpu
from jax.experimental.pallas import tpu_sc as plsc

_B = 16384
_C = 1000
_NW = 32
_RPW = _B // _NW
_CH = 64
_NCH = _RPW // _CH


def _sc_probe_body(x_hbm, out_hbm, buf, acc, out_v):
    wid = lax.axis_index("s") * 2 + lax.axis_index("c")
    base = wid * _RPW
    acc[...] = jnp.zeros((16,), jnp.float32)
    for c in range(_NCH):
        pltpu.sync_copy(x_hbm.at[pl.ds(base + c * _CH, _CH)], buf)
        acc[...] = acc[...] + buf[0, pl.ds(0, 16)]
    out_v[...] = acc[...]
    pltpu.sync_copy(out_v, out_hbm.at[wid])


@jax.jit
def kernel(input, target):
    probe = pl.kernel(
        _sc_probe_body,
        out_type=jax.ShapeDtypeStruct((_NW, 16), jnp.float32),
        mesh=plsc.VectorSubcoreMesh(
            core_axis_name="c", subcore_axis_name="s", num_cores=2, num_subcores=16
        ),
        scratch_types=[
            pltpu.VMEM((_CH, _C), jnp.float32),
            pltpu.VMEM((16,), jnp.float32),
            pltpu.VMEM((16,), jnp.float32),
        ],
    )(input)
    return jnp.sum(probe)

# --- scband reference (transcript-rebuilt; emitter-appended) ---
"""Pipeline reference for scband-hard-mining-creloss-50113678410169 (READ-ONLY COPY).

The authoritative reference and input builder live on the scoring server;
editing this copy changes nothing except your own understanding.
"""

import jax, jax.numpy as jnp
import numpy as np

SAVE_RATE = 0.5

def _ce_per_example(logits, target):
    # cross entropy with reduction='none'
    lse = jax.scipy.special.logsumexp(logits, axis=1)
    tgt_logit = jnp.take_along_axis(logits, target[:, None], axis=1)[:, 0]
    return lse - tgt_logit

def setup_inputs(seed: int = 0) -> dict:
    key = jax.random.key(seed)
    k1, k2 = jax.random.split(key)
    input = jax.random.normal(k1, (16384, 1000), dtype=jnp.float32)
    target = jax.random.randint(k2, (16384,), 0, 1000, dtype=jnp.int64 if jax.config.read('jax_enable_x64') else jnp.int32).astype(jnp.int32)
    return {"input": input, "target": target}

def reference(input, target):
    batch_size = input.shape[0]
    loss = _ce_per_example(input, target)
    ind_sorted = jnp.argsort(-loss)
    num_saved = int(SAVE_RATE * batch_size)
    ind_update = ind_sorted[:num_saved]
    loss_final = jnp.sum(_ce_per_example(input[ind_update], target[ind_update]))
    return loss_final

if __name__ == "__main__":
    import jax
    _d = setup_inputs()
    print(jax.jit(kernel)(*tuple(_d.values())))

</pallas_src>

<mosaic_0001>
#map = affine_map<(d0, d1) -> (0, 0)>
module attributes {stable_mosaic.version = 14 : i64} {
  func.func @_sc_probe_body(%arg0: i32, %arg1: i32, %arg2: memref<16384x1000xf32, #tpu.memory_space<hbm>>, %arg3: memref<32x16xf32, #tpu.memory_space<hbm>>, %arg4: memref<64x1000xf32, #tpu.memory_space<vmem>>, %arg5: memref<16xf32, #tpu.memory_space<vmem>>, %arg6: memref<16xf32, #tpu.memory_space<vmem>>) attributes {dimension_semantics = [#tpu.dimension_semantics<core_parallel>, #tpu.dimension_semantics<subcore_parallel>], iteration_bounds = array<i64: 2, 16>, scalar_prefetch = 0 : i64, scratch_operands = 3 : i64, tpu.core_type = #tpu.core_type<sc_vector_subcore>, window_params = [{transform_indices = #map}, {transform_indices = #map}]} {
    %mul3A = arith.constant 2 : i32
    %mul3A_0 = arith.muli %arg1, %mul3A : i32
    %add3A = arith.addi %mul3A_0, %arg0 : i32
    %mul3A_1 = arith.constant 512 : i32
    %mul3A_2 = arith.muli %add3A, %mul3A_1 : i32
    %broadcast_in_dim3A = arith.constant 0.000000e+00 : f32
    %broadcast_in_dim3A_3 = vector.broadcast %broadcast_in_dim3A : f32 to vector<16xf32>
    %swap3A = arith.constant 0 : index
    %swap3A_4 = tpu.vector_load %arg5[%swap3A] {strides = array<i32>} : memref<16xf32, #tpu.memory_space<vmem>>, vector<16xf32>,
    %swap3A_5 = vector.shape_cast %swap3A_4 : vector<16xf32> to vector<16xf32>
    %swap3A_6 = vector.shape_cast %broadcast_in_dim3A_3 : vector<16xf32> to vector<16xf32>
    tpu.vector_store %arg5[%swap3A], %swap3A_6 {strides = array<i32>} : memref<16xf32, #tpu.memory_space<vmem>>, vector<16xf32>,
    %add3A_7 = arith.constant 0 : i32
    %add3A_8 = arith.addi %mul3A_2, %add3A_7 : i32
    "tpu.region"() ({
      %run_scoped3A = tpu.sem_alloc : memref<!tpu.dma_semaphore, #tpu.memory_space<semaphore_mem>>
      %dma_start3A = arith.constant 0 : i32
      %dma_start3A_133 = tpu.memref_slice %arg2[%add3A_8, %dma_start3A] : memref<16384x1000xf32, #tpu.memory_space<hbm>> -> memref<64x1000xf32, #tpu.memory_space<hbm>>
      %dma_start3A_134 = arith.constant 0 : i32
      %dma_start3A_135 = tpu.memref_slice %arg2[%add3A_8, %dma_start3A_134] : memref<16384x1000xf32, #tpu.memory_space<hbm>> -> memref<64x1000xf32, #tpu.memory_space<hbm>>
      tpu.enqueue_dma source(%dma_start3A_135 : memref<64x1000xf32, #tpu.memory_space<hbm>>) target(%arg4 : memref<64x1000xf32, #tpu.memory_space<vmem>>) target_semaphore(%run_scoped3A : memref<!tpu.dma_semaphore, #tpu.memory_space<semaphore_mem>>)
      %dma_wait3A = arith.constant 0 : i32
      %dma_wait3A_136 = tpu.memref_slice %arg2[%add3A_8, %dma_wait3A] : memref<16384x1000xf32, #tpu.memory_space<hbm>> -> memref<64x1000xf32, #tpu.memory_space<hbm>>
      %dma_wait3A_137 = arith.constant 0 : i32
      %dma_wait3A_138 = tpu.memref_slice %arg2[%add3A_8, %dma_wait3A_137] : memref<16384x1000xf32, #tpu.memory_space<hbm>> -> memref<64x1000xf32, #tpu.memory_space<hbm>>
      tpu.wait_dma2 semaphore(%run_scoped3A : memref<!tpu.dma_semaphore, #tpu.memory_space<semaphore_mem>>) src(%dma_wait3A_138 : memref<64x1000xf32, #tpu.memory_space<hbm>>) dst(%arg4 : memref<64x1000xf32, #tpu.memory_space<vmem>>)
      tpu.yield
    }) : () -> ()
    %get3A = arith.constant 0 : index
    %get3A_9 = tpu.vector_load %arg5[%get3A] {strides = array<i32>} : memref<16xf32, #tpu.memory_space<vmem>>, vector<16xf32>,
    %get3A_10 = vector.shape_cast %get3A_9 : vector<16xf32> to vector<16xf32>
    %get3A_11 = arith.constant 0 : i32
    %get3A_12 = arith.index_cast %get3A_11 : i32 to index
    %get3A_13 = arith.constant 0 : index
    %get3A_14 = tpu.vector_load %arg4[%get3A_12, %get3A_13] {strides = array<i32>} : memref<64x1000xf32, #tpu.memory_space<vmem>>, vector<1x16xf32>,
    %get3A_15 = vector.shape_cast %get3A_14 : vector<1x16xf32> to vector<16xf32>
    %add3A_16 = arith.addf %get3A_10, %get3A_15 : vector<16xf32>
    %swap3A_17 = arith.constant 0 : index
    %swap3A_18 = tpu.vector_load %arg5[%swap3A_17] {strides = array<i32>} : memref<16xf32, #tpu.memory_space<vmem>>, vector<16xf32>,
    %swap3A_19 = vector.shape_cast %swap3A_18 : vector<16xf32> to vector<16xf32>
    %swap3A_20 = vector.shape_cast %add3A_16 : vector<16xf32> to vector<16xf32>
    tpu.vector_store %arg5[%swap3A_17], %swap3A_20 {strides = array<i32>} : memref<16xf32, #tpu.memory_space<vmem>>, vector<16xf32>,
    %add3A_21 = arith.constant 64 : i32
    %add3A_22 = arith.addi %mul3A_2, %add3A_21 : i32
    "tpu.region"() ({
      %run_scoped3A = tpu.sem_alloc : memref<!tpu.dma_semaphore, #tpu.memory_space<semaphore_mem>>
      %dma_start3A = arith.constant 0 : i32
      %dma_start3A_133 = tpu.memref_slice %arg2[%add3A_22, %dma_start3A] : memref<16384x1000xf32, #tpu.memory_space<hbm>> -> memref<64x1000xf32, #tpu.memory_space<hbm>>
      %dma_start3A_134 = arith.constant 0 : i32
      %dma_start3A_135 = tpu.memref_slice %arg2[%add3A_22, %dma_start3A_134] : memref<16384x1000xf32, #tpu.memory_space<hbm>> -> memref<64x1000xf32, #tpu.memory_space<hbm>>
      tpu.enqueue_dma source(%dma_start3A_135 : memref<64x1000xf32, #tpu.memory_space<hbm>>) target(%arg4 : memref<64x1000xf32, #tpu.memory_space<vmem>>) target_semaphore(%run_scoped3A : memref<!tpu.dma_semaphore, #tpu.memory_space<semaphore_mem>>)
      %dma_wait3A = arith.constant 0 : i32
      %dma_wait3A_136 = tpu.memref_slice %arg2[%add3A_22, %dma_wait3A] : memref<16384x1000xf32, #tpu.memory_space<hbm>> -> memref<64x1000xf32, #tpu.memory_space<hbm>>
      %dma_wait3A_137 = arith.constant 0 : i32
      %dma_wait3A_138 = tpu.memref_slice %arg2[%add3A_22, %dma_wait3A_137] : memref<16384x1000xf32, #tpu.memory_space<hbm>> -> memref<64x1000xf32, #tpu.memory_space<hbm>>
      tpu.wait_dma2 semaphore(%run_scoped3A : memref<!tpu.dma_semaphore, #tpu.memory_space<semaphore_mem>>) src(%dma_wait3A_138 : memref<64x1000xf32, #tpu.memory_space<hbm>>) dst(%arg4 : memref<64x1000xf32, #tpu.memory_space<vmem>>)
      tpu.yield
    }) : () -> ()
    %get3A_23 = arith.constant 0 : index
    %get3A_24 = tpu.vector_load %arg5[%get3A_23] {strides = array<i32>} : memref<16xf32, #tpu.memory_space<vmem>>, vector<16xf32>,
    %get3A_25 = vector.shape_cast %get3A_24 : vector<16xf32> to vector<16xf32>
    %get3A_26 = arith.constant 0 : i32
    %get3A_27 = arith.index_cast %get3A_26 : i32 to index
    %get3A_28 = arith.constant 0 : index
    %get3A_29 = tpu.vector_load %arg4[%get3A_27, %get3A_28] {strides = array<i32>} : memref<64x1000xf32, #tpu.memory_space<vmem>>, vector<1x16xf32>,
    %get3A_30 = vector.shape_cast %get3A_29 : vector<1x16xf32> to vector<16xf32>
    %add3A_31 = arith.addf %get3A_25, %get3A_30 : vector<16xf32>
    %swap3A_32 = arith.constant 0 : index
    %swap3A_33 = tpu.vector_load %arg5[%swap3A_32] {strides = array<i32>} : memref<16xf32, #tpu.memory_space<vmem>>, vector<16xf32>,
    %swap3A_34 = vector.shape_cast %swap3A_33 : vector<16xf32> to vector<16xf32>
    %swap3A_35 = vector.shape_cast %add3A_31 : vector<16xf32> to vector<16xf32>
    tpu.vector_store %arg5[%swap3A_32], %swap3A_35 {strides = array<i32>} : memref<16xf32, #tpu.memory_space<vmem>>, vector<16xf32>,
    %add3A_36 = arith.constant 128 : i32
    %add3A_37 = arith.addi %mul3A_2, %add3A_36 : i32
    "tpu.region"() ({
      %run_scoped3A = tpu.sem_alloc : memref<!tpu.dma_semaphore, #tpu.memory_space<semaphore_mem>>
      %dma_start3A = arith.constant 0 : i32
      %dma_start3A_133 = tpu.memref_slice %arg2[%add3A_37, %dma_start3A] : memref<16384x1000xf32, #tpu.memory_space<hbm>> -> memref<64x1000xf32, #tpu.memory_space<hbm>>
      %dma_start3A_134 = arith.constant 0 : i32
      %dma_start3A_135 = tpu.memref_slice %arg2[%add3A_37, %dma_start3A_134] : memref<16384x1000xf32, #tpu.memory_space<hbm>> -> memref<64x1000xf32, #tpu.memory_space<hbm>>
      tpu.enqueue_dma source(%dma_start3A_135 : memref<64x1000xf32, #tpu.memory_space<hbm>>) target(%arg4 : memref<64x1000xf32, #tpu.memory_space<vmem>>) target_semaphore(%run_scoped3A : memref<!tpu.dma_semaphore, #tpu.memory_space<semaphore_mem>>)
      %dma_wait3A = arith.constant 0 : i32
      %dma_wait3A_136 = tpu.memref_slice %arg2[%add3A_37, %dma_wait3A] : memref<16384x1000xf32, #tpu.memory_space<hbm>> -> memref<64x1000xf32, #tpu.memory_space<hbm>>
      %dma_wait3A_137 = arith.constant 0 : i32
      %dma_wait3A_138 = tpu.memref_slice %arg2[%add3A_37, %dma_wait3A_137] : memref<16384x1000xf32, #tpu.memory_space<hbm>> -> memref<64x1000xf32, #tpu.memory_space<hbm>>
      tpu.wait_dma2 semaphore(%run_scoped3A : memref<!tpu.dma_semaphore, #tpu.memory_space<semaphore_mem>>) src(%dma_wait3A_138 : memref<64x1000xf32, #tpu.memory_space<hbm>>) dst(%arg4 : memref<64x1000xf32, #tpu.memory_space<vmem>>)
      tpu.yield
    }) : () -> ()
    %get3A_38 = arith.constant 0 : index
    %get3A_39 = tpu.vector_load %arg5[%get3A_38] {strides = array<i32>} : memref<16xf32, #tpu.memory_space<vmem>>, vector<16xf32>,
    %get3A_40 = vector.shape_cast %get3A_39 : vector<16xf32> to vector<16xf32>
    %get3A_41 = arith.constant 0 : i32
    %get3A_42 = arith.index_cast %get3A_41 : i32 to index
    %get3A_43 = arith.constant 0 : index
    %get3A_44 = tpu.vector_load %arg4[%get3A_42, %get3A_43] {strides = array<i32>} : memref<64x1000xf32, #tpu.memory_space<vmem>>, vector<1x16xf32>,
    %get3A_45 = vector.shape_cast %get3A_44 : vector<1x16xf32> to vector<16xf32>
    %add3A_46 = arith.addf %get3A_40, %get3A_45 : vector<16xf32>
    %swap3A_47 = arith.constant 0 : index
    %swap3A_48 = tpu.vector_load %arg5[%swap3A_47] {strides = array<i32>} : memref<16xf32, #tpu.memory_space<vmem>>, vector<16xf32>,
    %swap3A_49 = vector.shape_cast %swap3A_48 : vector<16xf32> to vector<16xf32>
    %swap3A_50 = vector.shape_cast %add3A_46 : vector<16xf32> to vector<16xf32>
    tpu.vector_store %arg5[%swap3A_47], %swap3A_50 {strides = array<i32>} : memref<16xf32, #tpu.memory_space<vmem>>, vector<16xf32>,
    %add3A_51 = arith.constant 192 : i32
    %add3A_52 = arith.addi %mul3A_2, %add3A_51 : i32
    "tpu.region"() ({
      %run_scoped3A = tpu.sem_alloc : memref<!tpu.dma_semaphore, #tpu.memory_space<semaphore_mem>>
      %dma_start3A = arith.constant 0 : i32
      %dma_start3A_133 = tpu.memref_slice %arg2[%add3A_52, %dma_start3A] : memref<16384x1000xf32, #tpu.memory_space<hbm>> -> memref<64x1000xf32, #tpu.memory_space<hbm>>
      %dma_start3A_134 = arith.constant 0 : i32
      %dma_start3A_135 = tpu.memref_slice %arg2[%add3A_52, %dma_start3A_134] : memref<16384x1000xf32, #tpu.memory_space<hbm>> -> memref<64x1000xf32, #tpu.memory_space<hbm>>
      tpu.enqueue_dma source(%dma_start3A_135 : memref<64x1000xf32, #tpu.memory_space<hbm>>) target(%arg4 : memref<64x1000xf32, #tpu.memory_space<vmem>>) target_semaphore(%run_scoped3A : memref<!tpu.dma_semaphore, #tpu.memory_space<semaphore_mem>>)
      %dma_wait3A = arith.constant 0 : i32
      %dma_wait3A_136 = tpu.memref_slice %arg2[%add3A_52, %dma_wait3A] : memref<16384x1000xf32, #tpu.memory_space<hbm>> -> memref<64x1000xf32, #tpu.memory_space<hbm>>
      %dma_wait3A_137 = arith.constant 0 : i32
      %dma_wait3A_138 = tpu.memref_slice %arg2[%add3A_52, %dma_wait3A_137] : memref<16384x1000xf32, #tpu.memory_space<hbm>> -> memref<64x1000xf32, #tpu.memory_space<hbm>>
      tpu.wait_dma2 semaphore(%run_scoped3A : memref<!tpu.dma_semaphore, #tpu.memory_space<semaphore_mem>>) src(%dma_wait3A_138 : memref<64x1000xf32, #tpu.memory_space<hbm>>) dst(%arg4 : memref<64x1000xf32, #tpu.memory_space<vmem>>)
      tpu.yield
    }) : () -> ()
    %get3A_53 = arith.constant 0 : index
    %get3A_54 = tpu.vector_load %arg5[%get3A_53] {strides = array<i32>} : memref<16xf32, #tpu.memory_space<vmem>>, vector<16xf32>,
    %get3A_55 = vector.shape_cast %get3A_54 : vector<16xf32> to vector<16xf32>
    %get3A_56 = arith.constant 0 : i32
    %get3A_57 = arith.index_cast %get3A_56 : i32 to index
    %get3A_58 = arith.constant 0 : index
    %get3A_59 = tpu.vector_load %arg4[%get3A_57, %get3A_58] {strides = array<i32>} : memref<64x1000xf32, #tpu.memory_space<vmem>>, vector<1x16xf32>,
    %get3A_60 = vector.shape_cast %get3A_59 : vector<1x16xf32> to vector<16xf32>
    %add3A_61 = arith.addf %get3A_55, %get3A_60 : vector<16xf32>
    %swap3A_62 = arith.constant 0 : index
    %swap3A_63 = tpu.vector_load %arg5[%swap3A_62] {strides = array<i32>} : memref<16xf32, #tpu.memory_space<vmem>>, vector<16xf32>,
    %swap3A_64 = vector.shape_cast %swap3A_63 : vector<16xf32> to vector<16xf32>
    %swap3A_65 = vector.shape_cast %add3A_61 : vector<16xf32> to vector<16xf32>
    tpu.vector_store %arg5[%swap3A_62], %swap3A_65 {strides = array<i32>} : memref<16xf32, #tpu.memory_space<vmem>>, vector<16xf32>,
    %add3A_66 = arith.constant 256 : i32
    %add3A_67 = arith.addi %mul3A_2, %add3A_66 : i32
    "tpu.region"() ({
      %run_scoped3A = tpu.sem_alloc : memref<!tpu.dma_semaphore, #tpu.memory_space<semaphore_mem>>
      %dma_start3A = arith.constant 0 : i32
      %dma_start3A_133 = tpu.memref_slice %arg2[%add3A_67, %dma_start3A] : memref<16384x1000xf32, #tpu.memory_space<hbm>> -> memref<64x1000xf32, #tpu.memory_space<hbm>>
      %dma_start3A_134 = arith.constant 0 : i32
      %dma_start3A_135 = tpu.memref_slice %arg2[%add3A_67, %dma_start3A_134] : memref<16384x1000xf32, #tpu.memory_space<hbm>> -> memref<64x1000xf32, #tpu.memory_space<hbm>>
      tpu.enqueue_dma source(%dma_start3A_135 : memref<64x1000xf32, #tpu.memory_space<hbm>>) target(%arg4 : memref<64x1000xf32, #tpu.memory_space<vmem>>) target_semaphore(%run_scoped3A : memref<!tpu.dma_semaphore, #tpu.memory_space<semaphore_mem>>)
      %dma_wait3A = arith.constant 0 : i32
      %dma_wait3A_136 = tpu.memref_slice %arg2[%add3A_67, %dma_wait3A] : memref<16384x1000xf32, #tpu.memory_space<hbm>> -> memref<64x1000xf32, #tpu.memory_space<hbm>>
      %dma_wait3A_137 = arith.constant 0 : i32
      %dma_wait3A_138 = tpu.memref_slice %arg2[%add3A_67, %dma_wait3A_137] : memref<16384x1000xf32, #tpu.memory_space<hbm>> -> memref<64x1000xf32, #tpu.memory_space<hbm>>
      tpu.wait_dma2 semaphore(%run_scoped3A : memref<!tpu.dma_semaphore, #tpu.memory_space<semaphore_mem>>) src(%dma_wait3A_138 : memref<64x1000xf32, #tpu.memory_space<hbm>>) dst(%arg4 : memref<64x1000xf32, #tpu.memory_space<vmem>>)
      tpu.yield
    }) : () -> ()
    %get3A_68 = arith.constant 0 : index
    %get3A_69 = tpu.vector_load %arg5[%get3A_68] {strides = array<i32>} : memref<16xf32, #tpu.memory_space<vmem>>, vector<16xf32>,
    %get3A_70 = vector.shape_cast %get3A_69 : vector<16xf32> to vector<16xf32>
    %get3A_71 = arith.constant 0 : i32
    %get3A_72 = arith.index_cast %get3A_71 : i32 to index
    %get3A_73 = arith.constant 0 : index
    %get3A_74 = tpu.vector_load %arg4[%get3A_72, %get3A_73] {strides = array<i32>} : memref<64x1000xf32, #tpu.memory_space<vmem>>, vector<1x16xf32>,
    %get3A_75 = vector.shape_cast %get3A_74 : vector<1x16xf32> to vector<16xf32>
    %add3A_76 = arith.addf %get3A_70, %get3A_75 : vector<16xf32>
    %swap3A_77 = arith.constant 0 : index
    %swap3A_78 = tpu.vector_load %arg5[%swap3A_77] {strides = array<i32>} : memref<16xf32, #tpu.memory_space<vmem>>, vector<16xf32>,
    %swap3A_79 = vector.shape_cast %swap3A_78 : vector<16xf32> to vector<16xf32>
    %swap3A_80 = vector.shape_cast %add3A_76 : vector<16xf32> to vector<16xf32>
    tpu.vector_store %arg5[%swap3A_77], %swap3A_80 {strides = array<i32>} : memref<16xf32, #tpu.memory_space<vmem>>, vector<16xf32>,
    %add3A_81 = arith.constant 320 : i32
    %add3A_82 = arith.addi %mul3A_2, %add3A_81 : i32
    "tpu.region"() ({
      %run_scoped3A = tpu.sem_alloc : memref<!tpu.dma_semaphore, #tpu.memory_space<semaphore_mem>>
      %dma_start3A = arith.constant 0 : i32
      %dma_start3A_133 = tpu.memref_slice %arg2[%add3A_82, %dma_start3A] : memref<16384x1000xf32, #tpu.memory_space<hbm>> -> memref<64x1000xf32, #tpu.memory_space<hbm>>
      %dma_start3A_134 = arith.constant 0 : i32
      %dma_start3A_135 = tpu.memref_slice %arg2[%add3A_82, %dma_start3A_134] : memref<16384x1000xf32, #tpu.memory_space<hbm>> -> memref<64x1000xf32, #tpu.memory_space<hbm>>
      tpu.enqueue_dma source(%dma_start3A_135 : memref<64x1000xf32, #tpu.memory_space<hbm>>) target(%arg4 : memref<64x1000xf32, #tpu.memory_space<vmem>>) target_semaphore(%run_scoped3A : memref<!tpu.dma_semaphore, #tpu.memory_space<semaphore_mem>>)
      %dma_wait3A = arith.constant 0 : i32
      %dma_wait3A_136 = tpu.memref_slice %arg2[%add3A_82, %dma_wait3A] : memref<16384x1000xf32, #tpu.memory_space<hbm>> -> memref<64x1000xf32, #tpu.memory_space<hbm>>
      %dma_wait3A_137 = arith.constant 0 : i32
      %dma_wait3A_138 = tpu.memref_slice %arg2[%add3A_82, %dma_wait3A_137] : memref<16384x1000xf32, #tpu.memory_space<hbm>> -> memref<64x1000xf32, #tpu.memory_space<hbm>>
      tpu.wait_dma2 semaphore(%run_scoped3A : memref<!tpu.dma_semaphore, #tpu.memory_space<semaphore_mem>>) src(%dma_wait3A_138 : memref<64x1000xf32, #tpu.memory_space<hbm>>) dst(%arg4 : memref<64x1000xf32, #tpu.memory_space<vmem>>)
      tpu.yield
    }) : () -> ()
    %get3A_83 = arith.constant 0 : index
    %get3A_84 = tpu.vector_load %arg5[%get3A_83] {strides = array<i32>} : memref<16xf32, #tpu.memory_space<vmem>>, vector<16xf32>,
    %get3A_85 = vector.shape_cast %get3A_84 : vector<16xf32> to vector<16xf32>
    %get3A_86 = arith.constant 0 : i32
    %get3A_87 = arith.index_cast %get3A_86 : i32 to index
    %get3A_88 = arith.constant 0 : index
    %get3A_89 = tpu.vector_load %arg4[%get3A_87, %get3A_88] {strides = array<i32>} : memref<64x1000xf32, #tpu.memory_space<vmem>>, vector<1x16xf32>,
    %get3A_90 = vector.shape_cast %get3A_89 : vector<1x16xf32> to vector<16xf32>
    %add3A_91 = arith.addf %get3A_85, %get3A_90 : vector<16xf32>
    %swap3A_92 = arith.constant 0 : index
    %swap3A_93 = tpu.vector_load %arg5[%swap3A_92] {strides = array<i32>} : memref<16xf32, #tpu.memory_space<vmem>>, vector<16xf32>,
    %swap3A_94 = vector.shape_cast %swap3A_93 : vector<16xf32> to vector<16xf32>
    %swap3A_95 = vector.shape_cast %add3A_91 : vector<16xf32> to vector<16xf32>
    tpu.vector_store %arg5[%swap3A_92], %swap3A_95 {strides = array<i32>} : memref<16xf32, #tpu.memory_space<vmem>>, vector<16xf32>,
    %add3A_96 = arith.constant 384 : i32
    %add3A_97 = arith.addi %mul3A_2, %add3A_96 : i32
    "tpu.region"() ({
      %run_scoped3A = tpu.sem_alloc : memref<!tpu.dma_semaphore, #tpu.memory_space<semaphore_mem>>
      %dma_start3A = arith.constant 0 : i32
      %dma_start3A_133 = tpu.memref_slice %arg2[%add3A_97, %dma_start3A] : memref<16384x1000xf32, #tpu.memory_space<hbm>> -> memref<64x1000xf32, #tpu.memory_space<hbm>>
      %dma_start3A_134 = arith.constant 0 : i32
      %dma_start3A_135 = tpu.memref_slice %arg2[%add3A_97, %dma_start3A_134] : memref<16384x1000xf32, #tpu.memory_space<hbm>> -> memref<64x1000xf32, #tpu.memory_space<hbm>>
      tpu.enqueue_dma source(%dma_start3A_135 : memref<64x1000xf32, #tpu.memory_space<hbm>>) target(%arg4 : memref<64x1000xf32, #tpu.memory_space<vmem>>) target_semaphore(%run_scoped3A : memref<!tpu.dma_semaphore, #tpu.memory_space<semaphore_mem>>)
      %dma_wait3A = arith.constant 0 : i32
      %dma_wait3A_136 = tpu.memref_slice %arg2[%add3A_97, %dma_wait3A] : memref<16384x1000xf32, #tpu.memory_space<hbm>> -> memref<64x1000xf32, #tpu.memory_space<hbm>>
      %dma_wait3A_137 = arith.constant 0 : i32
      %dma_wait3A_138 = tpu.memref_slice %arg2[%add3A_97, %dma_wait3A_137] : memref<16384x1000xf32, #tpu.memory_space<hbm>> -> memref<64x1000xf32, #tpu.memory_space<hbm>>
      tpu.wait_dma2 semaphore(%run_scoped3A : memref<!tpu.dma_semaphore, #tpu.memory_space<semaphore_mem>>) src(%dma_wait3A_138 : memref<64x1000xf32, #tpu.memory_space<hbm>>) dst(%arg4 : memref<64x1000xf32, #tpu.memory_space<vmem>>)
      tpu.yield
    }) : () -> ()
    %get3A_98 = arith.constant 0 : index
    %get3A_99 = tpu.vector_load %arg5[%get3A_98] {strides = array<i32>} : memref<16xf32, #tpu.memory_space<vmem>>, vector<16xf32>,
    %get3A_100 = vector.shape_cast %get3A_99 : vector<16xf32> to vector<16xf32>
    %get3A_101 = arith.constant 0 : i32
    %get3A_102 = arith.index_cast %get3A_101 : i32 to index
    %get3A_103 = arith.constant 0 : index
    %get3A_104 = tpu.vector_load %arg4[%get3A_102, %get3A_103] {strides = array<i32>} : memref<64x1000xf32, #tpu.memory_space<vmem>>, vector<1x16xf32>,
    %get3A_105 = vector.shape_cast %get3A_104 : vector<1x16xf32> to vector<16xf32>
    %add3A_106 = arith.addf %get3A_100, %get3A_105 : vector<16xf32>
    %swap3A_107 = arith.constant 0 : index
    %swap3A_108 = tpu.vector_load %arg5[%swap3A_107] {strides = array<i32>} : memref<16xf32, #tpu.memory_space<vmem>>, vector<16xf32>,
    %swap3A_109 = vector.shape_cast %swap3A_108 : vector<16xf32> to vector<16xf32>
    %swap3A_110 = vector.shape_cast %add3A_106 : vector<16xf32> to vector<16xf32>
    tpu.vector_store %arg5[%swap3A_107], %swap3A_110 {strides = array<i32>} : memref<16xf32, #tpu.memory_space<vmem>>, vector<16xf32>,
    %add3A_111 = arith.constant 448 : i32
    %add3A_112 = arith.addi %mul3A_2, %add3A_111 : i32
    "tpu.region"() ({
      %run_scoped3A = tpu.sem_alloc : memref<!tpu.dma_semaphore, #tpu.memory_space<semaphore_mem>>
      %dma_start3A = arith.constant 0 : i32
      %dma_start3A_133 = tpu.memref_slice %arg2[%add3A_112, %dma_start3A] : memref<16384x1000xf32, #tpu.memory_space<hbm>> -> memref<64x1000xf32, #tpu.memory_space<hbm>>
      %dma_start3A_134 = arith.constant 0 : i32
      %dma_start3A_135 = tpu.memref_slice %arg2[%add3A_112, %dma_start3A_134] : memref<16384x1000xf32, #tpu.memory_space<hbm>> -> memref<64x1000xf32, #tpu.memory_space<hbm>>
      tpu.enqueue_dma source(%dma_start3A_135 : memref<64x1000xf32, #tpu.memory_space<hbm>>) target(%arg4 : memref<64x1000xf32, #tpu.memory_space<vmem>>) target_semaphore(%run_scoped3A : memref<!tpu.dma_semaphore, #tpu.memory_space<semaphore_mem>>)
      %dma_wait3A = arith.constant 0 : i32
      %dma_wait3A_136 = tpu.memref_slice %arg2[%add3A_112, %dma_wait3A] : memref<16384x1000xf32, #tpu.memory_space<hbm>> -> memref<64x1000xf32, #tpu.memory_space<hbm>>
      %dma_wait3A_137 = arith.constant 0 : i32
      %dma_wait3A_138 = tpu.memref_slice %arg2[%add3A_112, %dma_wait3A_137] : memref<16384x1000xf32, #tpu.memory_space<hbm>> -> memref<64x1000xf32, #tpu.memory_space<hbm>>
      tpu.wait_dma2 semaphore(%run_scoped3A : memref<!tpu.dma_semaphore, #tpu.memory_space<semaphore_mem>>) src(%dma_wait3A_138 : memref<64x1000xf32, #tpu.memory_space<hbm>>) dst(%arg4 : memref<64x1000xf32, #tpu.memory_space<vmem>>)
      tpu.yield
    }) : () -> ()
    %get3A_113 = arith.constant 0 : index
    %get3A_114 = tpu.vector_load %arg5[%get3A_113] {strides = array<i32>} : memref<16xf32, #tpu.memory_space<vmem>>, vector<16xf32>,
    %get3A_115 = vector.shape_cast %get3A_114 : vector<16xf32> to vector<16xf32>
    %get3A_116 = arith.constant 0 : i32
    %get3A_117 = arith.index_cast %get3A_116 : i32 to index
    %get3A_118 = arith.constant 0 : index
    %get3A_119 = tpu.vector_load %arg4[%get3A_117, %get3A_118] {strides = array<i32>} : memref<64x1000xf32, #tpu.memory_space<vmem>>, vector<1x16xf32>,
    %get3A_120 = vector.shape_cast %get3A_119 : vector<1x16xf32> to vector<16xf32>
    %add3A_121 = arith.addf %get3A_115, %get3A_120 : vector<16xf32>
    %swap3A_122 = arith.constant 0 : index
    %swap3A_123 = tpu.vector_load %arg5[%swap3A_122] {strides = array<i32>} : memref<16xf32, #tpu.memory_space<vmem>>, vector<16xf32>,
    %swap3A_124 = vector.shape_cast %swap3A_123 : vector<16xf32> to vector<16xf32>
    %swap3A_125 = vector.shape_cast %add3A_121 : vector<16xf32> to vector<16xf32>
    tpu.vector_store %arg5[%swap3A_122], %swap3A_125 {strides = array<i32>} : memref<16xf32, #tpu.memory_space<vmem>>, vector<16xf32>,
    %get3A_126 = arith.constant 0 : index
    %get3A_127 = tpu.vector_load %arg5[%get3A_126] {strides = array<i32>} : memref<16xf32, #tpu.memory_space<vmem>>, vector<16xf32>,
    %get3A_128 = vector.shape_cast %get3A_127 : vector<16xf32> to vector<16xf32>
    %swap3A_129 = arith.constant 0 : index
    %swap3A_130 = tpu.vector_load %arg6[%swap3A_129] {strides = array<i32>} : memref<16xf32, #tpu.memory_space<vmem>>, vector<16xf32>,
    %swap3A_131 = vector.shape_cast %swap3A_130 : vector<16xf32> to vector<16xf32>
    %swap3A_132 = vector.shape_cast %get3A_128 : vector<16xf32> to vector<16xf32>
    tpu.vector_store %arg6[%swap3A_129], %swap3A_132 {strides = array<i32>} : memref<16xf32, #tpu.memory_space<vmem>>, vector<16xf32>,
    "tpu.region"() ({
      %run_scoped3A = tpu.sem_alloc : memref<!tpu.dma_semaphore, #tpu.memory_space<semaphore_mem>>
      %dma_start3A = arith.constant 0 : i32
      %dma_start3A_133 = tpu.memref_slice %arg3[%add3A, %dma_start3A] : memref<32x16xf32, #tpu.memory_space<hbm>> -> memref<1x16xf32, #tpu.memory_space<hbm>>
      %dma_start3A_134 = tpu.memref_squeeze %dma_start3A_133 : memref<1x16xf32, #tpu.memory_space<hbm>> -> memref<16xf32, #tpu.memory_space<hbm>>
      %dma_start3A_135 = arith.constant 0 : i32
      %dma_start3A_136 = tpu.memref_slice %arg3[%add3A, %dma_start3A_135] : memref<32x16xf32, #tpu.memory_space<hbm>> -> memref<1x16xf32, #tpu.memory_space<hbm>>
      %dma_start3A_137 = tpu.memref_squeeze %dma_start3A_136 : memref<1x16xf32, #tpu.memory_space<hbm>> -> memref<16xf32, #tpu.memory_space<hbm>>
      tpu.enqueue_dma source(%arg6 : memref<16xf32, #tpu.memory_space<vmem>>) target(%dma_start3A_137 : memref<16xf32, #tpu.memory_space<hbm>>) target_semaphore(%run_scoped3A : memref<!tpu.dma_semaphore, #tpu.memory_space<semaphore_mem>>)
      %dma_wait3A = arith.constant 0 : i32
      %dma_wait3A_138 = tpu.memref_slice %arg3[%add3A, %dma_wait3A] : memref<32x16xf32, #tpu.memory_space<hbm>> -> memref<1x16xf32, #tpu.memory_space<hbm>>
      %dma_wait3A_139 = tpu.memref_squeeze %dma_wait3A_138 : memref<1x16xf32, #tpu.memory_space<hbm>> -> memref<16xf32, #tpu.memory_space<hbm>>
      %dma_wait3A_140 = arith.constant 0 : i32
      %dma_wait3A_141 = tpu.memref_slice %arg3[%add3A, %dma_wait3A_140] : memref<32x16xf32, #tpu.memory_space<hbm>> -> memref<1x16xf32, #tpu.memory_space<hbm>>
      %dma_wait3A_142 = tpu.memref_squeeze %dma_wait3A_141 : memref<1x16xf32, #tpu.memory_space<hbm>> -> memref<16xf32, #tpu.memory_space<hbm>>
      tpu.wait_dma2 semaphore(%run_scoped3A : memref<!tpu.dma_semaphore, #tpu.memory_space<semaphore_mem>>) src(%arg6 : memref<16xf32, #tpu.memory_space<vmem>>) dst(%dma_wait3A_142 : memref<16xf32, #tpu.memory_space<hbm>>)
      tpu.yield
    }) : () -> ()
    return
  }
}

</mosaic_0001>

<sc_bundles>
// kernel: kernel.3.cloned.1.call-start
scs
__scs_entry_jumppad:
0x0: {  	(pc) =	sbr.rel $0x88, $3  }
0x1: {  	(tag) =	ssettag $0x0;
	lr =	simm.s32 $0x1  }
0x2: {  	[smem:$0x3FA0] =	sst lr;
	_ =	strace $0xD0000000  }
0x3: {  	_ = 	snop  }
0x4: {  	_ = 	snop  }
0x5: {  	_ = 	snop  }
0x6: {  	_ = 	snop  }
0x7: {  	_ = 	snop  }
__scs_overlays_trampoline_lowered:
0x8: {  	[smem:$0x3FAF] =	sst s0  }
0x9: {  	[smem:$0x3FB0] =	sst s1  }
0xa: {  	[smem:$0x3FB1] =	sst s2  }
0xb: {  	[smem:$0x3FB2] =	sst s3  }
0xc: {  	[smem:$0x3FB3] =	sst s4  }
0xd: {  	[smem:$0x3FB4] =	sst s5  }
0xe: {  	[smem:$0x3FB5] =	sst s6  }
0xf: {  	[smem:$0x3FB6] =	sst s7  }
0x10: {  	[smem:$0x3FB7] =	sst s8  }
0x11: {  	[smem:$0x3FB8] =	sst s9;
	s0 =	simm.s32 @!p0 $0x0  }
0x12: {  	s1 =	sld [smem:$0x3F9E];
	s0 =	simm.s32 @p0 $0x1  }
0x13: {  	[smem:$0x3FB9] =	sst s0;
	s0 =	simm.s32 @!p1 $0x0  }
0x14: {  	s2 =	sld [smem:$0x3F9D];
	s0 =	simm.s32 @p1 $0x1  }
0x15: {  	[smem:$0x3FBA] =	sst s0;
	s0 =	simm.s32 @!p2 $0x0  }
0x16: {  	s3 =	sld [smem:$0x3FDB];
	s0 =	simm.s32 @p2 $0x1  }
0x17: {  	s4 =	simm.s32 $0x1BF5;
	[smem:$0x3FBC] =	sst s0  }
0x18: {  	s0 =	sld [smem:$0x3F9F];
	_ =	swait.ge [sflag:s4], $0x0  }
0x19: {  	s7 =	sld [smem:$0x3FA0]  }
0x1a: {  	s8 =	sadd.s32 $0xFFFFE003, lr  }
0x1b: {  	s9 =	sadd.s32 $0xFFFFFEF7, lr;
	s5 =	simm.s32 $0xFFFFFFFF;
	p2 =	slt.u32 s8, $0xFFFFF086  }
0x1c: {  	p1 =	slt.u32 s9, $0xF7A;
	s5 =	simm.s32 @!p2 $0x0  }
0x1d: {  	s5 =	simm.s32 @p1 $0x1;
	p0 =	seq.s32 s7, s2  }
0x1e: {  	s7 =	smul.u32 @!p0 $0xF7A, s2;
	p2 =	seq.s32 @!p0 s5, $0x0  }
0x1f: {  	s9 =	smul.u32 $0xF7A, s1;
	s8 =	simm.s32 @!p0 $0x1BF5;
	p2 =	por !p2, p0  }
0x20: {  	[sflag:s8] =	ssyncset.s32 @!p0 $0xFFFFF086;
	s6 =	sadd.s32 @!p0 s3, s7;
	s7 =	simm.s32 @!p0 $0x108  }
0x21: {  	s3 =	sadd.s32 s3, s9;
	s6 =	sadd.s32 @!p0 $0x88, s6;
	s7 =	simm.s32 @p2 $0x1082  }
0x22: {  	[simem:s7], [sflag:s8] =	dma.local @!p0 [hbm:s6], $0xF7A  }
0x23: {  	s9 =	sor.u32 $0xD0000000, s2;
	s6 =	simm.s32 $0x108;
	_ =	swait.ge @!p0 [sflag:s8], $0x0  }
0x24: {  	s3 =	sadd.s32 $0x88, s3;
	s6 =	simm.s32 @!p1 $0x1082;
	[sflag:s4] =	ssyncset.s32 $0xFFFFF086  }
0x25: {  	[simem:s6], [sflag:s4] =	dma.local [hbm:s3], $0xF7A  }
0x26: {  	[smem:$0x3FA0] =	sst s1;
	(tag) =	ssettag s2;
	_ =	strace s9  }
0x27: {  	s1 =	sld [smem:$0x3FB0]  }
0x28: {  	s2 =	sld [smem:$0x3FB1]  }
0x29: {  	s4 =	sld [smem:$0x3FB3]  }
0x2a: {  	p0 =	seq.s32 s5, $0x0;
	s5 =	sld [smem:$0x3FB4]  }
0x2b: {  	s6 =	sld [smem:$0x3FB5]  }
0x2c: {  	s7 =	sld [smem:$0x3FB6]  }
0x2d: {  	s3 =	simm.s32 $0x108;
	s8 =	sld [smem:$0x3FB7]  }
0x2e: {  	s3 =	simm.s32 @!p0 $0x1082;
	s9 =	sld [smem:$0x3FB8]  }
0x2f: {  	lr =	sadd.s32 s0, s3;
	s0 =	sld [smem:$0x3FAF]  }
0x30: {  	s3 =	sld [smem:$0x3FB2]  }
0x31: {  	[smem:$0x3FBB] =	sst s10  }
0x32: {  	s10 =	sld [smem:$0x3FB9];
	_ =	sdelay $0x3  }
0x33: {  	p0 =	seq.s32 s10, $0x1;
	s10 =	sld [smem:$0x3FBB];
	_ =	sdelay $0x3  }
0x34: {  	[smem:$0x3FBB] =	sst s10  }
0x35: {  	s10 =	sld [smem:$0x3FBA];
	_ =	sdelay $0x3  }
0x36: {  	p1 =	seq.s32 s10, $0x1;
	s10 =	sld [smem:$0x3FBB];
	_ =	sdelay $0x3  }
0x37: {  	[smem:$0x3FBB] =	sst s10  }
0x38: {  	s10 =	sld [smem:$0x3FBC]  }
0x39: {  	_ = 	snop;
	(pc) =	sbr.ind lr, $3  }
0x3a: {  	_ = 	snop  }
0x3b: {  	_ = 	snop  }
0x3c: {  	p2 =	seq.s32 s10, $0x1;
	s10 =	sld [smem:$0x3FBB]  }
0x3d: {  	_ =	shalt  }
0x3e: {  	_ =	shalt  }
0x3f: {  	_ =	shalt  }
0x40: {  	_ =	shalt  }
0x41: {  	_ =	shalt  }
0x42: {  	_ =	shalt  }
0x43: {  	_ =	shalt  }
0x44: {  	_ =	shalt  }
0x45: {  	_ =	shalt  }
0x46: {  	_ =	shalt  }
0x47: {  	_ =	shalt  }
0x48: {  	_ =	shalt  }
0x49: {  	_ =	shalt  }
0x4a: {  	_ =	shalt  }
0x4b: {  	_ =	shalt  }
0x4c: {  	_ =	shalt  }
0x4d: {  	_ =	shalt  }
0x4e: {  	_ =	shalt  }
0x4f: {  	_ =	shalt  }
0x50: {  	_ =	shalt  }
0x51: {  	_ =	shalt  }
0x52: {  	_ =	shalt  }
0x53: {  	_ =	shalt  }
0x54: {  	_ =	shalt  }
0x55: {  	_ =	shalt  }
0x56: {  	_ =	shalt  }
0x57: {  	_ =	shalt  }
0x58: {  	_ =	shalt  }
0x59: {  	_ =	shalt  }
0x5a: {  	_ =	shalt  }
0x5b: {  	_ =	shalt  }
0x5c: {  	_ =	shalt  }
0x5d: {  	_ =	shalt  }
0x5e: {  	_ =	shalt  }
0x5f: {  	_ =	shalt  }
0x60: {  	_ =	shalt  }
0x61: {  	_ =	shalt  }
0x62: {  	_ =	shalt  }
0x63: {  	_ =	shalt  }
0x64: {  	_ =	shalt  }
0x65: {  	_ =	shalt  }
0x66: {  	_ =	shalt  }
0x67: {  	_ =	shalt  }
0x68: {  	_ =	shalt  }
0x69: {  	_ =	shalt  }
0x6a: {  	_ =	shalt  }
0x6b: {  	_ =	shalt  }
0x6c: {  	_ =	shalt  }
0x6d: {  	_ =	shalt  }
0x6e: {  	_ =	shalt  }
0x6f: {  	_ =	shalt  }
0x70: {  	_ =	shalt  }
0x71: {  	_ =	shalt  }
0x72: {  	_ =	shalt  }
0x73: {  	_ =	shalt  }
0x74: {  	_ =	shalt  }
0x75: {  	_ =	shalt  }
0x76: {  	_ =	shalt  }
0x77: {  	_ =	shalt  }
0x78: {  	_ =	shalt  }
0x79: {  	_ =	shalt  }
0x7a: {  	_ =	shalt  }
0x7b: {  	_ =	shalt  }
0x7c: {  	_ =	shalt  }
0x7d: {  	_ =	shalt  }
0x7e: {  	_ =	shalt  }
0x7f: {  	_ =	shalt  }
0x80: {  	_ =	shalt  }
0x81: {  	_ =	shalt  }
0x82: {  	_ =	shalt  }
0x83: {  	_ =	shalt  }
0x84: {  	_ =	shalt  }
0x85: {  	_ =	shalt  }
0x86: {  	_ =	shalt  }
0x87: {  	_ =	shalt  }
.Lfunc_end0:
.L_simem_size_0:
called_computation_lowered:
.L_overlay_start_0:
0x88: {  	s2 =	sld [smem:$0x3FD9]  }
0x89: {  	s3 =	sld [smem:$0x3FFE];
	_ =	sdelay $0x1  }
0x8a: {  	s1 =	srdreg.scid  }
0x8b: {  	s0 =	sand.u32 $0x1, s1  }
0x8c: {  	s16 =	sshll.u32 s0, $0xA;
	s2 =	sadd.s32 s3, s2  }
0x8d: {  	s2 =	sadd.s32 s2, s16  }
0x8e: {  	[smem:$0x3FC7] =	sst s2  }
0x8f: {  	_ = 	snop  }
0x90: {  	(tm) =	ssettm $0x1  }
0x91: {  	s17 =	sld [smem:$0x3FFB];
	_ =	sdelay $0x3  }
0x92: {  	_ =	strace s17  }
0x93: {  	s2 =	sld [smem:$0x3FFC];
	_ =	sdelay $0x3  }
0x94: {  	_ =	strace s2  }
0x95: {  	s2 =	sld [smem:$0x3FFD];
	_ =	sdelay $0x3  }
0x96: {  	_ =	strace s2  }
0x97: {  	_ =	strace $0x8FFFFFFF  }
0x98: {  	s18 =	sld [smem:$0x3FDB];
	_ =	sdelay $0x1  }
0x99: {  	s19 =	simm.s32 $_scs_section_size  }
0x9a: {  	s4 =	simm.s32 $_size__tile_overlayer_lowered;
	s5 =	simm.s32 $_tile_overlayer_lowered  }
0x9b: {  	s22 =	simm.s32 $0x1BFF;
	s21 =	sshll.u32 s5, $0x1;
	s2 =	sadd.s32 s19, s18  }
0x9c: {  	s6 =	simm.s32 $0x0;
	s20 =	sshll.u32 s4, $0x1;
	s4 =	sadd.s32 s21, s2  }
0x9d: {  	[timem:s6], [sflag:s22] =	dma.local [hbm:s4], s20  }
0x9e: {  	_ =	swait.ge [sflag:s22], s20  }
0x9f: {  	s3 =	ssub.s32 $0x0, s20;
	[sflag:s22] =	ssyncset.done $0x0  }
0xa0: {  	[sflag:s22] =	ssyncadd.s32 s3;
	_ =	sdelay $0x1  }
0xa1: {  	s23 =	simm.s32 $0x1B8B  }
0xa2: {  	_ =	swait.ge [sflag:s23], $0x1  }
0xa3: {  	[sflag:s23] =	ssyncset.done $0x0  }
0xa4: {  	s25 =	simm.s32 $0x1B8E;
	s24 =	sld [smem:$0x3FFE];
	[sflag:s23] =	ssyncadd.s32 $0xFFFFFFFF  }
0xa5: {  	s26 =	simm.s32 $execute0_lowered;
	[smem:$0x3FD2] =	sst s25  }
0xa6: {  	s4 =	sshll.u32 s26, $0x1;
	_ =	strace $0x80000046;
	[dreg:$0x1] =	wrdreg $0xFFFFFFFF  }
0xa7: {  	s28 =	simm.s32 $_size_execute0_lowered;
	s2 =	sadd.s32 s2, s4;
	[dreg:$0x0] =	wrdreg $0x0  }
0xa8: {  	s4 =	sshll.u32 s28, $0x1;
	[dreg:$0x2] =	wrdreg s2  }
0xa9: {  	[dreg:$0x3] =	wrdreg s4  }
0xaa: {  	[dreg:$0x4] =	wrdreg $0xC0  }
0xab: {  	_ =	task [dreg:s6], $0x5FFFF  }
0xac: {  	[dreg:$0x1] =	wrdreg $0xFFFFFFFF  }
0xad: {  	[dreg:$0x0] =	wrdreg $0x60  }
0xae: {  	[dreg:$0x2] =	wrdreg s24  }
0xaf: {  	[dreg:$0x3] =	wrdreg $0x9  }
0xb0: {  	_ =	task.clear_ibuf [dreg:s6], $0x4FFFF;
	_ =	strace $0x90000046  }
0xb1: {  	s29 =	simm.s32 $0x9;
	_ =	strace $0x80000048  }
0xb2: {  	_ =	swait.ge [sflag:s29], $0x1  }
0xb3: {  	[sflag:s29] =	ssyncadd.s32 $0xFFFFFFFF  }
0xb4: {  	_ =	strace $0x90000048  }
0xb5: {  	_ =	sfence  }
0xb6: {  	s30 =	sld [smem:$0x0];
	_ =	sdelay $0x2  }
0xb7: {  	s31 =	sshll.u32 s1, $0xD;
	s1 =	sshrl.u32 s1, $0x2  }
0xb8: {  	s3 =	sand.u32 $0x4000, s31;
	s1 =	sadd.s32 s1, s30  }
0xb9: {  	s0 =	sor.u32 s3, s0;
	s1 =	sshll.u32 s1, $0x11  }
0xba: {  	s0 =	sor.u32 s1, s0  }
0xbb: {  	s0 =	sadd.s32 $0x8F2B, s0  }
0xbc: {  	[sflag:s0] =	ssyncadd.remote.s32 $0x1  }
0xbd: {  	_ =	sfence.sel $0xFFFF  }
0xbe: {  	[dreg:$0x0] =	wrdreg $0xFFFFFFFF;
	(pc) =	sbr.abs _section_cstart, $3  }
0xbf: {  	[dreg:$0x1] =	wrdreg $0xFFFFFFFF  }
0xc0: {  	_ =	task.clear_ibuf [dreg:s6], $0x2FFFF;
	_ =	strace $0x9FFFFFFF  }
0xc1: {  	(tm) =	ssettm $0x7FFFFFFF  }
tec
execute0_lowered:
.L_overlay_start_1:
0x0: {  	(tag) =	ssettag $0x1  }
0x1: {  	s3 =	srdreg.scid;
	s1 =	stileid.u32  }
0x2: {  	s12 =	rddreg [dreg:$0x0];
	s11 =	sand.u32 $0x1, s3;
	s31 =	sshll.u32 s1, $0x1  }
0x3: {  	s0 =	rddreg [dreg:$0x1];
	s2 =	simm.s32 $0x0;
	s13 =	sor.u32 s11, s31  }
0x4: {  	v0 =	vimm.f32 $0.0e+00;
	[smem:$0x7FF] =	sst s2;
	s3 =	sshll.u32 s13, $0x10  }
0x5: {  	_ =	strace $0x80000047;
	[tilespmem:$0x10000] =	vst v0;
	s4 =	sadd.s32 s12, s3;
	s3 =	simm.s32 $0x1  }
0x6: {  	[tilespmem:s2], [sflag:$0x1] =	stream.linear.gather [hbm4b:s4+s2], $0x10000, $0x38;
	[tilespmem:$0x10100] =	vst v63  }
0x7: {  	_ =	swait.ge [sflag:s3], $0x10000  }
0x8: {  	[sflag:s3] =	ssyncset.done $0x0  }
0x9: {  	[sflag:s3] =	ssyncadd.s32 $0xFFFF0000  }
0xa: {  	v1 =	vld [tilespmem:$0x10000]  }
0xb: {  	v2 =	vld [tilespmem:$0x0];
	_ =	sdelay $0x4  }
0xc: {  	v1 =	vadd.f32 v2, v1;
	_ =	sdelay $0x1  }
0xd: {  	s5 =	sadd.s32 $0x2000, s4;
	[tilespmem:$0x10000] =	vst v1  }
0xe: {  	[tilespmem:s2], [sflag:$0x1] =	stream.linear.gather [hbm4b:s5+s2], $0x10000, $0x38;
	[tilespmem:$0x10100] =	vst v63  }
0xf: {  	_ =	swait.ge [sflag:s3], $0x10000  }
0x10: {  	[sflag:s3] =	ssyncset.done $0x0  }
0x11: {  	[sflag:s3] =	ssyncadd.s32 $0xFFFF0000  }
0x12: {  	v1 =	vld [tilespmem:$0x10000]  }
0x13: {  	v2 =	vld [tilespmem:$0x0];
	_ =	sdelay $0x4  }
0x14: {  	v1 =	vadd.f32 v2, v1;
	_ =	sdelay $0x1  }
0x15: {  	s6 =	sadd.s32 $0x4000, s4;
	[tilespmem:$0x10000] =	vst v1  }
0x16: {  	[tilespmem:s2], [sflag:$0x1] =	stream.linear.gather [hbm4b:s6+s2], $0x10000, $0x38;
	[tilespmem:$0x10100] =	vst v63  }
0x17: {  	_ =	swait.ge [sflag:s3], $0x10000  }
0x18: {  	[sflag:s3] =	ssyncset.done $0x0  }
0x19: {  	[sflag:s3] =	ssyncadd.s32 $0xFFFF0000  }
0x1a: {  	v1 =	vld [tilespmem:$0x10000]  }
0x1b: {  	v2 =	vld [tilespmem:$0x0];
	_ =	sdelay $0x4  }
0x1c: {  	v1 =	vadd.f32 v2, v1;
	_ =	sdelay $0x1  }
0x1d: {  	s7 =	sadd.s32 $0x6000, s4;
	[tilespmem:$0x10000] =	vst v1  }
0x1e: {  	[tilespmem:s2], [sflag:$0x1] =	stream.linear.gather [hbm4b:s7+s2], $0x10000, $0x38;
	[tilespmem:$0x10100] =	vst v63  }
0x1f: {  	_ =	swait.ge [sflag:s3], $0x10000  }
0x20: {  	[sflag:s3] =	ssyncset.done $0x0  }
0x21: {  	[sflag:s3] =	ssyncadd.s32 $0xFFFF0000  }
0x22: {  	v1 =	vld [tilespmem:$0x10000]  }
0x23: {  	v2 =	vld [tilespmem:$0x0];
	_ =	sdelay $0x4  }
0x24: {  	v1 =	vadd.f32 v2, v1;
	_ =	sdelay $0x1  }
0x25: {  	s8 =	sadd.s32 $0x8000, s4;
	[tilespmem:$0x10000] =	vst v1  }
0x26: {  	[tilespmem:s2], [sflag:$0x1] =	stream.linear.gather [hbm4b:s8+s2], $0x10000, $0x38;
	[tilespmem:$0x10100] =	vst v63  }
0x27: {  	_ =	swait.ge [sflag:s3], $0x10000  }
0x28: {  	[sflag:s3] =	ssyncset.done $0x0  }
0x29: {  	[sflag:s3] =	ssyncadd.s32 $0xFFFF0000  }
0x2a: {  	v1 =	vld [tilespmem:$0x10000]  }
0x2b: {  	v2 =	vld [tilespmem:$0x0];
	_ =	sdelay $0x4  }
0x2c: {  	v1 =	vadd.f32 v2, v1;
	_ =	sdelay $0x1  }
0x2d: {  	s9 =	sadd.s32 $0xA000, s4;
	[tilespmem:$0x10000] =	vst v1  }
0x2e: {  	[tilespmem:s2], [sflag:$0x1] =	stream.linear.gather [hbm4b:s9+s2], $0x10000, $0x38;
	[tilespmem:$0x10100] =	vst v63  }
0x2f: {  	_ =	swait.ge [sflag:s3], $0x10000  }
0x30: {  	[sflag:s3] =	ssyncset.done $0x0  }
0x31: {  	[sflag:s3] =	ssyncadd.s32 $0xFFFF0000  }
0x32: {  	v1 =	vld [tilespmem:$0x10000]  }
0x33: {  	v2 =	vld [tilespmem:$0x0];
	_ =	sdelay $0x4  }
0x34: {  	v1 =	vadd.f32 v2, v1;
	_ =	sdelay $0x1  }
0x35: {  	s10 =	sadd.s32 $0xC000, s4;
	[tilespmem:$0x10000] =	vst v1  }
0x36: {  	[tilespmem:s2], [sflag:$0x1] =	stream.linear.gather [hbm4b:s10+s2], $0x10000, $0x38;
	[tilespmem:$0x10100] =	vst v63  }
0x37: {  	_ =	swait.ge [sflag:s3], $0x10000  }
0x38: {  	[sflag:s3] =	ssyncset.done $0x0  }
0x39: {  	[sflag:s3] =	ssyncadd.s32 $0xFFFF0000  }
0x3a: {  	v1 =	vld [tilespmem:$0x10000]  }
0x3b: {  	v2 =	vld [tilespmem:$0x0];
	_ =	sdelay $0x2  }
0x3c: {  	s14 =	ssub.s32 $0x2, s11  }
0x3d: {  	s15 =	sshrl.u32 s14, $0x1  }
0x3e: {  	s14 =	ssub.s32 s14, s15;
	v1 =	vadd.f32 v2, v1  }
0x3f: {  	s14 =	smax.u32 s14, $0x1  }
0x40: {  	s11 =	sadd.s32 $0xE000, s4;
	p0 =	sne.s32 s14, $0x1;
	[tilespmem:$0x10000] =	vst v1  }
0x41: {  	[tilespmem:s2], [sflag:$0x1] =	stream.linear.gather [hbm4b:s11+s2], $0x10000, $0x38;
	[tilespmem:$0x10100] =	vst v63  }
.Ltmp0:
0x42: {  	_ =	swait.ge [sflag:s3], $0x10000;
	(pc) =	sbr.rel @!p0 .LBB2_2-.Ltmp0, $4  }
0x43: {  	[sflag:s3] =	ssyncset.done $0x0  }
0x44: {  	s13 =	sshll.u32 s13, $0x4;
	[sflag:s3] =	ssyncadd.s32 $0xFFFF0000  }
0x45: {  	s12 =	sadd.s32 s13, s12;
	v1 =	vld [tilespmem:$0x10000]  }
0x46: {  	s13 =	simm.s32 $0x10080;
	s12 =	sadd.s32 $0x200000, s12;
	s14 =	sadd.s32 $0xFFFFFFFF, s14;
	v2 =	vld [tilespmem:$0x0]  }
.LBB2_1:
0x47: {  	_ =	sdelay $0x1  }
0x48: {  	p0 =	sne.s32 s14, $0x1;
	s14 =	sadd.s32 $0xFFFFFFFF, s14;
	_ =	sdelay $0x1  }
0x49: {  	v1 =	vadd.f32 v2, v1;
	_ =	sdelay $0x1  }
0x4a: {  	[tilespmem:$0x10000] =	vst v1  }
0x4b: {  	[tilespmem:$0x10080] =	vst v1  }
0x4c: {  	[hbm4b:s12+s2] =	stream.linear.scatter [tilespmem:s13], [sflag:$0x1], $0x80, $0x38;
	[tilespmem:$0x10100] =	vst v63  }
0x4d: {  	_ =	swait.ge [sflag:s3], $0x80  }
0x4e: {  	[sflag:s3] =	ssyncset.done $0x0  }
0x4f: {  	[sflag:s3] =	ssyncadd.s32 $0xFFFFFF80  }
0x50: {  	[tilespmem:$0x10000] =	vst v0  }
0x51: {  	[tilespmem:s2], [sflag:$0x1] =	stream.linear.gather [hbm4b:s4+s2], $0x10000, $0x38;
	[tilespmem:$0x10100] =	vst v63  }
0x52: {  	_ =	swait.ge [sflag:s3], $0x10000  }
0x53: {  	[sflag:s3] =	ssyncset.done $0x0  }
0x54: {  	[sflag:s3] =	ssyncadd.s32 $0xFFFF0000  }
0x55: {  	v1 =	vld [tilespmem:$0x10000]  }
0x56: {  	v2 =	vld [tilespmem:$0x0];
	_ =	sdelay $0x4  }
0x57: {  	v1 =	vadd.f32 v2, v1;
	_ =	sdelay $0x1  }
0x58: {  	[tilespmem:$0x10000] =	vst v1  }
0x59: {  	[tilespmem:s2], [sflag:$0x1] =	stream.linear.gather [hbm4b:s5+s2], $0x10000, $0x38;
	[tilespmem:$0x10100] =	vst v63  }
0x5a: {  	_ =	swait.ge [sflag:s3], $0x10000  }
0x5b: {  	[sflag:s3] =	ssyncset.done $0x0  }
0x5c: {  	[sflag:s3] =	ssyncadd.s32 $0xFFFF0000  }
0x5d: {  	v1 =	vld [tilespmem:$0x10000]  }
0x5e: {  	v2 =	vld [tilespmem:$0x0];
	_ =	sdelay $0x4  }
0x5f: {  	v1 =	vadd.f32 v2, v1;
	_ =	sdelay $0x1  }
0x60: {  	[tilespmem:$0x10000] =	vst v1  }
0x61: {  	[tilespmem:s2], [sflag:$0x1] =	stream.linear.gather [hbm4b:s6+s2], $0x10000, $0x38;
	[tilespmem:$0x10100] =	vst v63  }
0x62: {  	_ =	swait.ge [sflag:s3], $0x10000  }
0x63: {  	[sflag:s3] =	ssyncset.done $0x0  }
0x64: {  	[sflag:s3] =	ssyncadd.s32 $0xFFFF0000  }
0x65: {  	v1 =	vld [tilespmem:$0x10000]  }
0x66: {  	v2 =	vld [tilespmem:$0x0];
	_ =	sdelay $0x4  }
0x67: {  	v1 =	vadd.f32 v2, v1;
	_ =	sdelay $0x1  }
0x68: {  	[tilespmem:$0x10000] =	vst v1  }
0x69: {  	[tilespmem:s2], [sflag:$0x1] =	stream.linear.gather [hbm4b:s7+s2], $0x10000, $0x38;
	[tilespmem:$0x10100] =	vst v63  }
0x6a: {  	_ =	swait.ge [sflag:s3], $0x10000  }
0x6b: {  	[sflag:s3] =	ssyncset.done $0x0  }
0x6c: {  	[sflag:s3] =	ssyncadd.s32 $0xFFFF0000  }
0x6d: {  	v1 =	vld [tilespmem:$0x10000]  }
0x6e: {  	v2 =	vld [tilespmem:$0x0];
	_ =	sdelay $0x4  }
0x6f: {  	v1 =	vadd.f32 v2, v1;
	_ =	sdelay $0x1  }
0x70: {  	[tilespmem:$0x10000] =	vst v1  }
0x71: {  	[tilespmem:s2], [sflag:$0x1] =	stream.linear.gather [hbm4b:s8+s2], $0x10000, $0x38;
	[tilespmem:$0x10100] =	vst v63  }
0x72: {  	_ =	swait.ge [sflag:s3], $0x10000  }
0x73: {  	[sflag:s3] =	ssyncset.done $0x0  }
0x74: {  	[sflag:s3] =	ssyncadd.s32 $0xFFFF0000  }
0x75: {  	v1 =	vld [tilespmem:$0x10000]  }
0x76: {  	v2 =	vld [tilespmem:$0x0];
	_ =	sdelay $0x4  }
0x77: {  	v1 =	vadd.f32 v2, v1;
	_ =	sdelay $0x1  }
0x78: {  	[tilespmem:$0x10000] =	vst v1  }
0x79: {  	[tilespmem:s2], [sflag:$0x1] =	stream.linear.gather [hbm4b:s9+s2], $0x10000, $0x38;
	[tilespmem:$0x10100] =	vst v63  }
0x7a: {  	_ =	swait.ge [sflag:s3], $0x10000  }
0x7b: {  	[sflag:s3] =	ssyncset.done $0x0  }
0x7c: {  	[sflag:s3] =	ssyncadd.s32 $0xFFFF0000  }
0x7d: {  	v1 =	vld [tilespmem:$0x10000]  }
0x7e: {  	v2 =	vld [tilespmem:$0x0];
	_ =	sdelay $0x4  }
0x7f: {  	v1 =	vadd.f32 v2, v1;
	_ =	sdelay $0x1  }
0x80: {  	[tilespmem:$0x10000] =	vst v1  }
0x81: {  	[tilespmem:s2], [sflag:$0x1] =	stream.linear.gather [hbm4b:s10+s2], $0x10000, $0x38;
	[tilespmem:$0x10100] =	vst v63  }
0x82: {  	_ =	swait.ge [sflag:s3], $0x10000  }
0x83: {  	[sflag:s3] =	ssyncset.done $0x0  }
0x84: {  	[sflag:s3] =	ssyncadd.s32 $0xFFFF0000  }
0x85: {  	v1 =	vld [tilespmem:$0x10000]  }
0x86: {  	v2 =	vld [tilespmem:$0x0];
	_ =	sdelay $0x4  }
0x87: {  	v1 =	vadd.f32 v2, v1;
	_ =	sdelay $0x1  }
0x88: {  	[tilespmem:$0x10000] =	vst v1  }
0x89: {  	[tilespmem:s2], [sflag:$0x1] =	stream.linear.gather [hbm4b:s11+s2], $0x10000, $0x38;
	[tilespmem:$0x10100] =	vst v63  }
.Ltmp1:
0x8a: {  	_ =	swait.ge [sflag:s3], $0x10000;
	(pc) =	sbr.rel @p0 .LBB2_1-.Ltmp1, $4  }
0x8b: {  	[sflag:s3] =	ssyncset.done $0x0  }
0x8c: {  	[sflag:s3] =	ssyncadd.s32 $0xFFFF0000  }
0x8d: {  	v1 =	vld [tilespmem:$0x10000]  }
0x8e: {  	v2 =	vld [tilespmem:$0x0]  }
.LBB2_2:
0x8f: {  	_ =	sdelay $0x3  }
0x90: {  	v0 =	vadd.f32 v2, v1;
	_ =	sdelay $0x1  }
0x91: {  	[tilespmem:$0x10000] =	vst v0  }
0x92: {  	[tilespmem:$0x10080] =	vst v0  }
0x93: {  	[hbm4b:s12+s2] =	stream.linear.scatter [tilespmem:s13], [sflag:$0x1], $0x80, $0x38;
	[tilespmem:$0x10100] =	vst v63  }
0x94: {  	_ =	swait.ge [sflag:s3], $0x80  }
0x95: {  	[sflag:s3] =	ssyncset.done $0x0  }
0x96: {  	[sflag:s3] =	ssyncadd.s32 $0xFFFFFF80  }
0x97: {  	_ =	sfence.sel $0x180000  }
0x98: {  	[bflag:$0x0] =	sbarrier.arrive $0xFFFF  }
0x99: {  	p0 =	sne.s32 s1, $0x0;
	_ =	strace $0x90000047  }
0x9a: {  	s0 =	sadd.s32 @!p0 $0x100000, s0;
	[bflag:$0x2] =	sbarrier.arrive $0xFFFF  }
0x9b: {  	[sflag:s0] =	ssyncadd.tile.s32 @!p0 $0x1;
	_ =	shalt  }
.Lfunc_end2:
_tile_overlayer_lowered:
.L_overlay_start_2:
0x9c: {  	(tag) =	ssettag $0x2  }
0x9d: {  	s0 =	rddreg [dreg:$0x0];
	s2 =	stileid.u32  }
0x9e: {  	s1 =	rddreg [dreg:$0x1];
	p0 =	sne.s32 s2, $0x0  }
0x9f: {  	s3 =	rddreg [dreg:$0x2];
	[bflag:$0x3] =	sbarrier.arrive $0xFFFF;
	s2 =	simm.s32 @!p0 $0x1C01  }
0xa0: {  	[timem:s3], [sflag:s2] =	dma.local @!p0 [hbm:s0], s1  }
0xa1: {  	s0 =	simm.s32 @!p0 $0x1  }
0xa2: {  	_ =	swait.ge @!p0 [sflag:s0], s1  }
0xa3: {  	s1 =	ssub.s32 @!p0 $0x0, s1;
	[sflag:s0] =	ssyncset.done @!p0 $0x0  }
0xa4: {  	[sflag:s0] =	ssyncadd.s32 @!p0 s1  }
0xa5: {  	[bflag:$0x3] =	sbarrier.arrive $0xFFFF  }
0xa6: {  	_ =	shalt  }

</sc_bundles>
